<compile_context>
chip_gen: v7x
topology: tpu7x:2x2x1
jax: 0.10.2.dev20260603
libtpu: 0.0.44.dev20260713+nightly
codegen_flags: <defaults>
</compile_context>

<pallas_src>
import functools

import jax
import jax.numpy as jnp
from jax import lax
from jax.experimental import pallas as pl
from jax.experimental.pallas import tpu as pltpu
from jax.experimental.pallas import tpu_sc as plsc

VOCAB = 1000000
EMBED = 32
BATCH = 16384
HIST = 200


_S_BLK = 32768
_S_GRID = (VOCAB + _S_BLK - 1) // _S_BLK


def _s_body(w_ref, t_ref, o_ref):
    o = lax.dot_general(
        w_ref[...], t_ref[...],
        dimension_numbers=(((1,), (0,)), ((), ())),
        preferred_element_type=jnp.float32,
    )
    o_ref[...] = o[0]


def _compute_s(table_t, w_scaled):
    w8 = jnp.broadcast_to(w_scaled, (8, EMBED))
    return pl.pallas_call(
        _s_body,
        grid=(_S_GRID,),
        in_specs=[
            pl.BlockSpec((8, EMBED), lambda i: (0, 0)),
            pl.BlockSpec((EMBED, _S_BLK), lambda i: (0, i)),
        ],
        out_specs=pl.BlockSpec((_S_BLK,), lambda i: (i,)),
        out_shape=jax.ShapeDtypeStruct((VOCAB,), jnp.float32),
    )(w8, table_t)



_T_GBLK = 64


def _t_body(x_ref, o_ref):
    blk = x_ref[...]
    o_ref[...] = (
        blk.reshape(HIST, _T_GBLK, 16).transpose(1, 0, 2).reshape(_T_GBLK, 16 * HIST)
    )


def _transpose_groups(x_t):
    ngrp = BATCH // 16
    return pl.pallas_call(
        _t_body,
        grid=(ngrp // _T_GBLK,),
        in_specs=[pl.BlockSpec((HIST, _T_GBLK * 16), lambda i: (0, i))],
        out_specs=pl.BlockSpec((_T_GBLK, 16 * HIST), lambda i: (i, 0)),
        out_shape=jax.ShapeDtypeStruct((ngrp, 16 * HIST), jnp.int32),
    )(x_t)



_NC = 2
_NS = 16
_NW = _NC * _NS
_ROWS_W = BATCH // _NW
_GRP = 16
_NGRP = _ROWS_W // _GRP

_GSZ = HIST * _GRP


@functools.cache
def _make_sc_pool():
    mesh = plsc.VectorSubcoreMesh(core_axis_name="c", subcore_axis_name="s")

    @functools.partial(
        pl.kernel,
        out_type=jax.ShapeDtypeStruct((BATCH,), jnp.float32),
        mesh=mesh,
        scratch_types=[
            pltpu.VMEM((_GSZ,), jnp.int32),
            pltpu.VMEM((_GSZ,), jnp.int32),
            pltpu.VMEM((_GSZ,), jnp.float32),
            pltpu.VMEM((_GSZ,), jnp.float32),
            pltpu.VMEM((_GRP,), jnp.float32),
            pltpu.SemaphoreType.DMA,
            pltpu.SemaphoreType.DMA,
        ],
    )
    def _sc_pool(
        xg_hbm, s_hbm, bv_hbm, out_hbm, idx0, idx1, val0, val1, out_v, s0, s1
    ):
        wid = lax.axis_index("s") * _NC + lax.axis_index("c")
        gbase = wid * _NGRP
        pltpu.sync_copy(bv_hbm, out_v)
        bv = out_v[...]
        bufs = ((idx0, val0, s0), (idx1, val1, s1))

        def start(b, ggl):
            idx_v, vals_v, sem = bufs[b]
            pltpu.sync_copy(xg_hbm.at[ggl], idx_v)
            pltpu.async_copy(s_hbm.at[idx_v], vals_v, sem)

        def finish(b, ggl):
            idx_v, vals_v, sem = bufs[b]
            pltpu.make_async_copy(s_hbm.at[idx_v], vals_v, sem).wait()

            def accum(l, a):
                return a + vals_v[pl.ds(l * _GRP, _GRP)]

            acc = lax.fori_loop(0, HIST, accum, bv)
            out_v[...] = 1.0 / (1.0 + jnp.exp(-acc))
            pltpu.sync_copy(out_v, out_hbm.at[pl.ds(ggl * _GRP, _GRP)])

        start(0, gbase)

        def pair(h, carry):
            g0 = gbase + 2 * h
            start(1, g0 + 1)
            finish(0, g0)

            @pl.when(h + 1 < _NGRP // 2)
            def _():
                start(0, g0 + 2)

            finish(1, g0 + 1)
            return carry

        lax.fori_loop(0, _NGRP // 2, pair, 0)

    return _sc_pool




def kernel(x, table, W, b):
    w_scaled = (W / HIST).astype(jnp.float32)
    s = _compute_s(table.T, w_scaled)
    xg = _transpose_groups(x.astype(jnp.int32).T)
    bv = jnp.broadcast_to(b.astype(jnp.float32), (_GRP,))
    return _make_sc_pool()(xg, s, bv)

# --- scband reference (transcript-rebuilt; emitter-appended) ---
"""Pipeline reference for scband-baseline-model-22943715295673 (READ-ONLY COPY).

The authoritative reference and input builder live on the scoring server;
editing this copy changes nothing except your own understanding.
"""

import jax, jax.numpy as jnp
import numpy as np

VOCAB = 1000000
EMBED = 32
BATCH = 16384
HIST = 200

def setup_inputs(seed: int = 0) -> dict:
    key = jax.random.key(seed)
    k1, k2, k3, k4 = jax.random.split(key, 4)
    x = jax.random.randint(k1, (BATCH, HIST), 0, VOCAB, dtype=jnp.int64 if jax.config.jax_enable_x64 else jnp.int32)
    table = jax.random.normal(k2, (VOCAB, EMBED), dtype=jnp.float32)
    # padding_idx=0: row 0 zeroed at init (matches nn.Embedding padding_idx behavior)
    table = table.at[0].set(0.0)
    # nn.Linear(embed_dim, 1) default init: U(-1/sqrt(fan_in), 1/sqrt(fan_in))
    bound = 1.0 / np.sqrt(EMBED)
    W = jax.random.uniform(k3, (1, EMBED), minval=-bound, maxval=bound, dtype=jnp.float32)
    b = jax.random.uniform(k4, (1,), minval=-bound, maxval=bound, dtype=jnp.float32)
    return {"x": x, "table": table, "W": W, "b": b}

def reference(x, table, W, b):
    # embedding lookup (gather) with padding row forced to zero
    table_eff = table.at[0].set(0.0)
    embedded = jnp.take(table_eff, x, axis=0)            # [B, L, D]
    avg_embedded = jnp.mean(embedded, axis=1)             # [B, D]
    out = avg_embedded @ W.T + b                          # [B, 1]
    return jax.nn.sigmoid(out).squeeze(1)                 # [B]

if __name__ == "__main__":
    import jax
    _d = setup_inputs()
    print(jax.jit(kernel)(*tuple(_d.values())))

</pallas_src>

<mosaic_0001>
#map = affine_map<(d0, d1) -> (0, 0)>
#map1 = affine_map<(d0, d1) -> (0)>
module attributes {stable_mosaic.version = 14 : i64} {
  func.func @_sc_pool(%arg0: i32, %arg1: i32, %arg2: memref<1024x3200xi32, #tpu.memory_space<hbm>>, %arg3: memref<1000000xf32, #tpu.memory_space<hbm>>, %arg4: memref<16xf32, #tpu.memory_space<hbm>>, %arg5: memref<16384xf32, #tpu.memory_space<hbm>>, %arg6: memref<3200xi32, #tpu.memory_space<vmem>>, %arg7: memref<3200xi32, #tpu.memory_space<vmem>>, %arg8: memref<3200xf32, #tpu.memory_space<vmem>>, %arg9: memref<3200xf32, #tpu.memory_space<vmem>>, %arg10: memref<16xf32, #tpu.memory_space<vmem>>, %arg11: memref<!tpu.dma_semaphore, #tpu.memory_space<semaphore_mem>>, %arg12: memref<!tpu.dma_semaphore, #tpu.memory_space<semaphore_mem>>) attributes {dimension_semantics = [#tpu.dimension_semantics<core_parallel>, #tpu.dimension_semantics<subcore_parallel>], iteration_bounds = array<i64: 2, 16>, scalar_prefetch = 0 : i64, scratch_operands = 7 : i64, tpu.core_type = #tpu.core_type<sc_vector_subcore>, window_params = [{transform_indices = #map}, {transform_indices = #map1}, {transform_indices = #map1}, {transform_indices = #map1}]} {
    %mul3A = arith.constant 2 : i32
    %mul3A_0 = arith.muli %arg1, %mul3A : i32
    %add3A = arith.addi %mul3A_0, %arg0 : i32
    %mul3A_1 = arith.constant 32 : i32
    %mul3A_2 = arith.muli %add3A, %mul3A_1 : i32
    "tpu.region"() ({
      %run_scoped3A = tpu.sem_alloc : memref<!tpu.dma_semaphore, #tpu.memory_space<semaphore_mem>>
      tpu.enqueue_dma source(%arg4 : memref<16xf32, #tpu.memory_space<hbm>>) target(%arg10 : memref<16xf32, #tpu.memory_space<vmem>>) target_semaphore(%run_scoped3A : memref<!tpu.dma_semaphore, #tpu.memory_space<semaphore_mem>>)
      tpu.wait_dma2 semaphore(%run_scoped3A : memref<!tpu.dma_semaphore, #tpu.memory_space<semaphore_mem>>) src(%arg4 : memref<16xf32, #tpu.memory_space<hbm>>) dst(%arg10 : memref<16xf32, #tpu.memory_space<vmem>>)
      tpu.yield
    }) : () -> ()
    %get3A = arith.constant 0 : index
    %get3A_3 = tpu.vector_load %arg10[%get3A] {strides = array<i32>} : memref<16xf32, #tpu.memory_space<vmem>>, vector<16xf32>,
    %get3A_4 = vector.shape_cast %get3A_3 : vector<16xf32> to vector<16xf32>
    "tpu.region"() ({
      %run_scoped3A = tpu.sem_alloc : memref<!tpu.dma_semaphore, #tpu.memory_space<semaphore_mem>>
      %dma_start3A_11 = arith.constant 0 : i32
      %dma_start3A_12 = tpu.memref_slice %arg2[%mul3A_2, %dma_start3A_11] : memref<1024x3200xi32, #tpu.memory_space<hbm>> -> memref<1x3200xi32, #tpu.memory_space<hbm>>
      %dma_start3A_13 = tpu.memref_squeeze %dma_start3A_12 : memref<1x3200xi32, #tpu.memory_space<hbm>> -> memref<3200xi32, #tpu.memory_space<hbm>>
      %dma_start3A_14 = arith.constant 0 : i32
      %dma_start3A_15 = tpu.memref_slice %arg2[%mul3A_2, %dma_start3A_14] : memref<1024x3200xi32, #tpu.memory_space<hbm>> -> memref<1x3200xi32, #tpu.memory_space<hbm>>
      %dma_start3A_16 = tpu.memref_squeeze %dma_start3A_15 : memref<1x3200xi32, #tpu.memory_space<hbm>> -> memref<3200xi32, #tpu.memory_space<hbm>>
      tpu.enqueue_dma source(%dma_start3A_16 : memref<3200xi32, #tpu.memory_space<hbm>>) target(%arg6 : memref<3200xi32, #tpu.memory_space<vmem>>) target_semaphore(%run_scoped3A : memref<!tpu.dma_semaphore, #tpu.memory_space<semaphore_mem>>)
      %dma_wait3A = arith.constant 0 : i32
      %dma_wait3A_17 = tpu.memref_slice %arg2[%mul3A_2, %dma_wait3A] : memref<1024x3200xi32, #tpu.memory_space<hbm>> -> memref<1x3200xi32, #tpu.memory_space<hbm>>
      %dma_wait3A_18 = tpu.memref_squeeze %dma_wait3A_17 : memref<1x3200xi32, #tpu.memory_space<hbm>> -> memref<3200xi32, #tpu.memory_space<hbm>>
      %dma_wait3A_19 = arith.constant 0 : i32
      %dma_wait3A_20 = tpu.memref_slice %arg2[%mul3A_2, %dma_wait3A_19] : memref<1024x3200xi32, #tpu.memory_space<hbm>> -> memref<1x3200xi32, #tpu.memory_space<hbm>>
      %dma_wait3A_21 = tpu.memref_squeeze %dma_wait3A_20 : memref<1x3200xi32, #tpu.memory_space<hbm>> -> memref<3200xi32, #tpu.memory_space<hbm>>
      tpu.wait_dma2 semaphore(%run_scoped3A : memref<!tpu.dma_semaphore, #tpu.memory_space<semaphore_mem>>) src(%dma_wait3A_21 : memref<3200xi32, #tpu.memory_space<hbm>>) dst(%arg6 : memref<3200xi32, #tpu.memory_space<vmem>>)
      tpu.yield
    }) : () -> ()
    %dma_start3A = arith.constant 0 : i32
    %dma_start3A_5 = tpu.memref_slice %arg3[%dma_start3A] : memref<1000000xf32, #tpu.memory_space<hbm>> -> memref<1000000xf32, #tpu.memory_space<hbm>>
    tpu.enqueue_indirect_dma source(%dma_start3A_5 : memref<1000000xf32, #tpu.memory_space<hbm>>) target(%arg8 : memref<3200xf32, #tpu.memory_space<vmem>>) offsets(%arg6 : memref<3200xi32, #tpu.memory_space<vmem>>) semaphore(%arg11 : memref<!tpu.dma_semaphore, #tpu.memory_space<semaphore_mem>>)
    %scan3A = arith.constant 0 : i32
    %scan3A_6 = arith.constant 0 : i32
    %scan3A_7 = arith.constant 16 : i32
    %scan3A_8 = arith.addi %scan3A_6, %scan3A_7 : i32
    %scan3A_9 = arith.constant 1 : i32
    scf.for %scan3A_11 = %scan3A_6 to %scan3A_8 step %scan3A_9  : i32 {
      %mul3A_12 = arith.constant 2 : i32
      %mul3A_13 = arith.muli %mul3A_12, %scan3A_11 : i32
      %add3A_14 = arith.addi %mul3A_2, %mul3A_13 : i32
      %add3A_15 = arith.constant 1 : i32
      %add3A_16 = arith.addi %add3A_14, %add3A_15 : i32
      "tpu.region"() ({
        %run_scoped3A = tpu.sem_alloc : memref<!tpu.dma_semaphore, #tpu.memory_space<semaphore_mem>>
        %dma_start3A_68 = arith.constant 0 : i32
        %dma_start3A_69 = tpu.memref_slice %arg2[%add3A_16, %dma_start3A_68] : memref<1024x3200xi32, #tpu.memory_space<hbm>> -> memref<1x3200xi32, #tpu.memory_space<hbm>>
        %dma_start3A_70 = tpu.memref_squeeze %dma_start3A_69 : memref<1x3200xi32, #tpu.memory_space<hbm>> -> memref<3200xi32, #tpu.memory_space<hbm>>
        %dma_start3A_71 = arith.constant 0 : i32
        %dma_start3A_72 = tpu.memref_slice %arg2[%add3A_16, %dma_start3A_71] : memref<1024x3200xi32, #tpu.memory_space<hbm>> -> memref<1x3200xi32, #tpu.memory_space<hbm>>
        %dma_start3A_73 = tpu.memref_squeeze %dma_start3A_72 : memref<1x3200xi32, #tpu.memory_space<hbm>> -> memref<3200xi32, #tpu.memory_space<hbm>>
        tpu.enqueue_dma source(%dma_start3A_73 : memref<3200xi32, #tpu.memory_space<hbm>>) target(%arg7 : memref<3200xi32, #tpu.memory_space<vmem>>) target_semaphore(%run_scoped3A : memref<!tpu.dma_semaphore, #tpu.memory_space<semaphore_mem>>)
        %dma_wait3A_74 = arith.constant 0 : i32
        %dma_wait3A_75 = tpu.memref_slice %arg2[%add3A_16, %dma_wait3A_74] : memref<1024x3200xi32, #tpu.memory_space<hbm>> -> memref<1x3200xi32, #tpu.memory_space<hbm>>
        %dma_wait3A_76 = tpu.memref_squeeze %dma_wait3A_75 : memref<1x3200xi32, #tpu.memory_space<hbm>> -> memref<3200xi32, #tpu.memory_space<hbm>>
        %dma_wait3A_77 = arith.constant 0 : i32
        %dma_wait3A_78 = tpu.memref_slice %arg2[%add3A_16, %dma_wait3A_77] : memref<1024x3200xi32, #tpu.memory_space<hbm>> -> memref<1x3200xi32, #tpu.memory_space<hbm>>
        %dma_wait3A_79 = tpu.memref_squeeze %dma_wait3A_78 : memref<1x3200xi32, #tpu.memory_space<hbm>> -> memref<3200xi32, #tpu.memory_space<hbm>>
        tpu.wait_dma2 semaphore(%run_scoped3A : memref<!tpu.dma_semaphore, #tpu.memory_space<semaphore_mem>>) src(%dma_wait3A_79 : memref<3200xi32, #tpu.memory_space<hbm>>) dst(%arg7 : memref<3200xi32, #tpu.memory_space<vmem>>)
        tpu.yield
      }) : () -> ()
      %dma_start3A_17 = arith.constant 0 : i32
      %dma_start3A_18 = tpu.memref_slice %arg3[%dma_start3A_17] : memref<1000000xf32, #tpu.memory_space<hbm>> -> memref<1000000xf32, #tpu.memory_space<hbm>>
      tpu.enqueue_indirect_dma source(%dma_start3A_18 : memref<1000000xf32, #tpu.memory_space<hbm>>) target(%arg9 : memref<3200xf32, #tpu.memory_space<vmem>>) offsets(%arg7 : memref<3200xi32, #tpu.memory_space<vmem>>) semaphore(%arg12 : memref<!tpu.dma_semaphore, #tpu.memory_space<semaphore_mem>>)
      %dma_wait3A = arith.constant 0 : i32
      %dma_wait3A_19 = tpu.memref_slice %arg3[%dma_wait3A] : memref<1000000xf32, #tpu.memory_space<hbm>> -> memref<1000000xf32, #tpu.memory_space<hbm>>
      tpu.wait_indirect_dma semaphore(%arg11 : memref<!tpu.dma_semaphore, #tpu.memory_space<semaphore_mem>>) src(%dma_wait3A_19 : memref<1000000xf32, #tpu.memory_space<hbm>>) dst(%arg8 : memref<3200xf32, #tpu.memory_space<vmem>>)
      %scan3A_20 = arith.constant 0 : i32
      %scan3A_21 = arith.constant 200 : i32
      %scan3A_22 = arith.addi %scan3A_20, %scan3A_21 : i32
      %scan3A_23 = arith.constant 1 : i32
      %scan3A_24 = scf.for %scan3A_68 = %scan3A_20 to %scan3A_22 step %scan3A_23 iter_args(%scan3A_69 = %get3A_4) -> (vector<16xf32>)  : i32 {
        %mul3A_70 = arith.constant 16 : i32
        %mul3A_71 = arith.muli %scan3A_68, %mul3A_70 : i32
        %get3A_72 = arith.index_cast %mul3A_71 : i32 to index
        %get3A_73 = tpu.vector_load %arg8[%get3A_72] {strides = array<i32>} : memref<3200xf32, #tpu.memory_space<vmem>>, vector<16xf32>,
        %get3A_74 = vector.shape_cast %get3A_73 : vector<16xf32> to vector<16xf32>
        %add3A_75 = arith.addf %scan3A_69, %get3A_74 : vector<16xf32>
        scf.yield %add3A_75 : vector<16xf32>
      }
      %scan3A_25 = arith.constant 200 : i32
      %neg3A = arith.constant 0.000000e+00 : f32
      %neg3A_26 = vector.broadcast %neg3A : f32 to vector<16xf32>
      %neg3A_27 = arith.subf %neg3A_26, %scan3A_24 : vector<16xf32>
      %exp3A = math.exp %neg3A_27 : vector<16xf32>
      %add3A_28 = arith.constant 1.000000e+00 : f32
      %add3A_29 = vector.broadcast %add3A_28 : f32 to vector<16xf32>
      %add3A_30 = arith.addf %add3A_29, %exp3A : vector<16xf32>
      %div3A = arith.constant 1.000000e+00 : f32
      %div3A_31 = vector.broadcast %div3A : f32 to vector<16xf32>
      %div3A_32 = arith.divf %div3A_31, %add3A_30 : vector<16xf32>
      %swap3A = arith.constant 0 : index
      %swap3A_33 = tpu.vector_load %arg10[%swap3A] {strides = array<i32>} : memref<16xf32, #tpu.memory_space<vmem>>, vector<16xf32>,
      %swap3A_34 = vector.shape_cast %swap3A_33 : vector<16xf32> to vector<16xf32>
      %swap3A_35 = vector.shape_cast %div3A_32 : vector<16xf32> to vector<16xf32>
      tpu.vector_store %arg10[%swap3A], %swap3A_35 {strides = array<i32>} : memref<16xf32, #tpu.memory_space<vmem>>, vector<16xf32>,
      %mul3A_36 = arith.constant 16 : i32
      %mul3A_37 = arith.muli %add3A_14, %mul3A_36 : i32
      "tpu.region"() ({
        %run_scoped3A = tpu.sem_alloc : memref<!tpu.dma_semaphore, #tpu.memory_space<semaphore_mem>>
        %dma_start3A_68 = tpu.memref_slice %arg5[%mul3A_37] : memref<16384xf32, #tpu.memory_space<hbm>> -> memref<16xf32, #tpu.memory_space<hbm>>
        %dma_start3A_69 = tpu.memref_slice %arg5[%mul3A_37] : memref<16384xf32, #tpu.memory_space<hbm>> -> memref<16xf32, #tpu.memory_space<hbm>>
        tpu.enqueue_dma source(%arg10 : memref<16xf32, #tpu.memory_space<vmem>>) target(%dma_start3A_69 : memref<16xf32, #tpu.memory_space<hbm>>) target_semaphore(%run_scoped3A : memref<!tpu.dma_semaphore, #tpu.memory_space<semaphore_mem>>)
        %dma_wait3A_70 = tpu.memref_slice %arg5[%mul3A_37] : memref<16384xf32, #tpu.memory_space<hbm>> -> memref<16xf32, #tpu.memory_space<hbm>>
        %dma_wait3A_71 = tpu.memref_slice %arg5[%mul3A_37] : memref<16384xf32, #tpu.memory_space<hbm>> -> memref<16xf32, #tpu.memory_space<hbm>>
        tpu.wait_dma2 semaphore(%run_scoped3A : memref<!tpu.dma_semaphore, #tpu.memory_space<semaphore_mem>>) src(%arg10 : memref<16xf32, #tpu.memory_space<vmem>>) dst(%dma_wait3A_71 : memref<16xf32, #tpu.memory_space<hbm>>)
        tpu.yield
      }) : () -> ()
      %add3A_38 = arith.constant 1 : i32
      %add3A_39 = arith.addi %scan3A_11, %add3A_38 : i32
      %lt3A = arith.constant 16 : i32
      %lt3A_40 = arith.cmpi slt, %add3A_39, %lt3A : i32
      %convert_element_type3A = arith.extui %lt3A_40 : i1 to i32
      %cond3A = arith.constant 0 : i32
      %cond3A_41 = arith.cmpi ne, %convert_element_type3A, %cond3A : i32
      scf.if %cond3A_41 {
        %add3A_68 = arith.constant 2 : i32
        %add3A_69 = arith.addi %add3A_14, %add3A_68 : i32
        "tpu.region"() ({
          %run_scoped3A = tpu.sem_alloc : memref<!tpu.dma_semaphore, #tpu.memory_space<semaphore_mem>>
          %dma_start3A_72 = arith.constant 0 : i32
          %dma_start3A_73 = tpu.memref_slice %arg2[%add3A_69, %dma_start3A_72] : memref<1024x3200xi32, #tpu.memory_space<hbm>> -> memref<1x3200xi32, #tpu.memory_space<hbm>>
          %dma_start3A_74 = tpu.memref_squeeze %dma_start3A_73 : memref<1x3200xi32, #tpu.memory_space<hbm>> -> memref<3200xi32, #tpu.memory_space<hbm>>
          %dma_start3A_75 = arith.constant 0 : i32
          %dma_start3A_76 = tpu.memref_slice %arg2[%add3A_69, %dma_start3A_75] : memref<1024x3200xi32, #tpu.memory_space<hbm>> -> memref<1x3200xi32, #tpu.memory_space<hbm>>
          %dma_start3A_77 = tpu.memref_squeeze %dma_start3A_76 : memref<1x3200xi32, #tpu.memory_space<hbm>> -> memref<3200xi32, #tpu.memory_space<hbm>>
          tpu.enqueue_dma source(%dma_start3A_77 : memref<3200xi32, #tpu.memory_space<hbm>>) target(%arg6 : memref<3200xi32, #tpu.memory_space<vmem>>) target_semaphore(%run_scoped3A : memref<!tpu.dma_semaphore, #tpu.memory_space<semaphore_mem>>)
          %dma_wait3A_78 = arith.constant 0 : i32
          %dma_wait3A_79 = tpu.memref_slice %arg2[%add3A_69, %dma_wait3A_78] : memref<1024x3200xi32, #tpu.memory_space<hbm>> -> memref<1x3200xi32, #tpu.memory_space<hbm>>
          %dma_wait3A_80 = tpu.memref_squeeze %dma_wait3A_79 : memref<1x3200xi32, #tpu.memory_space<hbm>> -> memref<3200xi32, #tpu.memory_space<hbm>>
          %dma_wait3A_81 = arith.constant 0 : i32
          %dma_wait3A_82 = tpu.memref_slice %arg2[%add3A_69, %dma_wait3A_81] : memref<1024x3200xi32, #tpu.memory_space<hbm>> -> memref<1x3200xi32, #tpu.memory_space<hbm>>
          %dma_wait3A_83 = tpu.memref_squeeze %dma_wait3A_82 : memref<1x3200xi32, #tpu.memory_space<hbm>> -> memref<3200xi32, #tpu.memory_space<hbm>>
          tpu.wait_dma2 semaphore(%run_scoped3A : memref<!tpu.dma_semaphore, #tpu.memory_space<semaphore_mem>>) src(%dma_wait3A_83 : memref<3200xi32, #tpu.memory_space<hbm>>) dst(%arg6 : memref<3200xi32, #tpu.memory_space<vmem>>)
          tpu.yield
        }) : () -> ()
        %dma_start3A_70 = arith.constant 0 : i32
        %dma_start3A_71 = tpu.memref_slice %arg3[%dma_start3A_70] : memref<1000000xf32, #tpu.memory_space<hbm>> -> memref<1000000xf32, #tpu.memory_space<hbm>>
        tpu.enqueue_indirect_dma source(%dma_start3A_71 : memref<1000000xf32, #tpu.memory_space<hbm>>) target(%arg8 : memref<3200xf32, #tpu.memory_space<vmem>>) offsets(%arg6 : memref<3200xi32, #tpu.memory_space<vmem>>) semaphore(%arg11 : memref<!tpu.dma_semaphore, #tpu.memory_space<semaphore_mem>>)
      } else {
      }
      %add3A_42 = arith.constant 1 : i32
      %add3A_43 = arith.addi %add3A_14, %add3A_42 : i32
      %dma_wait3A_44 = arith.constant 0 : i32
      %dma_wait3A_45 = tpu.memref_slice %arg3[%dma_wait3A_44] : memref<1000000xf32, #tpu.memory_space<hbm>> -> memref<1000000xf32, #tpu.memory_space<hbm>>
      tpu.wait_indirect_dma semaphore(%arg12 : memref<!tpu.dma_semaphore, #tpu.memory_space<semaphore_mem>>) src(%dma_wait3A_45 : memref<1000000xf32, #tpu.memory_space<hbm>>) dst(%arg9 : memref<3200xf32, #tpu.memory_space<vmem>>)
      %scan3A_46 = arith.constant 0 : i32
      %scan3A_47 = arith.constant 200 : i32
      %scan3A_48 = arith.addi %scan3A_46, %scan3A_47 : i32
      %scan3A_49 = arith.constant 1 : i32
      %scan3A_50 = scf.for %scan3A_68 = %scan3A_46 to %scan3A_48 step %scan3A_49 iter_args(%scan3A_69 = %get3A_4) -> (vector<16xf32>)  : i32 {
        %mul3A_70 = arith.constant 16 : i32
        %mul3A_71 = arith.muli %scan3A_68, %mul3A_70 : i32
        %get3A_72 = arith.index_cast %mul3A_71 : i32 to index
        %get3A_73 = tpu.vector_load %arg9[%get3A_72] {strides = array<i32>} : memref<3200xf32, #tpu.memory_space<vmem>>, vector<16xf32>,
        %get3A_74 = vector.shape_cast %get3A_73 : vector<16xf32> to vector<16xf32>
        %add3A_75 = arith.addf %scan3A_69, %get3A_74 : vector<16xf32>
        scf.yield %add3A_75 : vector<16xf32>
      }
      %scan3A_51 = arith.constant 200 : i32
      %neg3A_52 = arith.constant 0.000000e+00 : f32
      %neg3A_53 = vector.broadcast %neg3A_52 : f32 to vector<16xf32>
      %neg3A_54 = arith.subf %neg3A_53, %scan3A_50 : vector<16xf32>
      %exp3A_55 = math.exp %neg3A_54 : vector<16xf32>
      %add3A_56 = arith.constant 1.000000e+00 : f32
      %add3A_57 = vector.broadcast %add3A_56 : f32 to vector<16xf32>
      %add3A_58 = arith.addf %add3A_57, %exp3A_55 : vector<16xf32>
      %div3A_59 = arith.constant 1.000000e+00 : f32
      %div3A_60 = vector.broadcast %div3A_59 : f32 to vector<16xf32>
      %div3A_61 = arith.divf %div3A_60, %add3A_58 : vector<16xf32>
      %swap3A_62 = arith.constant 0 : index
      %swap3A_63 = tpu.vector_load %arg10[%swap3A_62] {strides = array<i32>} : memref<16xf32, #tpu.memory_space<vmem>>, vector<16xf32>,
      %swap3A_64 = vector.shape_cast %swap3A_63 : vector<16xf32> to vector<16xf32>
      %swap3A_65 = vector.shape_cast %div3A_61 : vector<16xf32> to vector<16xf32>
      tpu.vector_store %arg10[%swap3A_62], %swap3A_65 {strides = array<i32>} : memref<16xf32, #tpu.memory_space<vmem>>, vector<16xf32>,
      %mul3A_66 = arith.constant 16 : i32
      %mul3A_67 = arith.muli %add3A_43, %mul3A_66 : i32
      "tpu.region"() ({
        %run_scoped3A = tpu.sem_alloc : memref<!tpu.dma_semaphore, #tpu.memory_space<semaphore_mem>>
        %dma_start3A_68 = tpu.memref_slice %arg5[%mul3A_67] : memref<16384xf32, #tpu.memory_space<hbm>> -> memref<16xf32, #tpu.memory_space<hbm>>
        %dma_start3A_69 = tpu.memref_slice %arg5[%mul3A_67] : memref<16384xf32, #tpu.memory_space<hbm>> -> memref<16xf32, #tpu.memory_space<hbm>>
        tpu.enqueue_dma source(%arg10 : memref<16xf32, #tpu.memory_space<vmem>>) target(%dma_start3A_69 : memref<16xf32, #tpu.memory_space<hbm>>) target_semaphore(%run_scoped3A : memref<!tpu.dma_semaphore, #tpu.memory_space<semaphore_mem>>)
        %dma_wait3A_70 = tpu.memref_slice %arg5[%mul3A_67] : memref<16384xf32, #tpu.memory_space<hbm>> -> memref<16xf32, #tpu.memory_space<hbm>>
        %dma_wait3A_71 = tpu.memref_slice %arg5[%mul3A_67] : memref<16384xf32, #tpu.memory_space<hbm>> -> memref<16xf32, #tpu.memory_space<hbm>>
        tpu.wait_dma2 semaphore(%run_scoped3A : memref<!tpu.dma_semaphore, #tpu.memory_space<semaphore_mem>>) src(%arg10 : memref<16xf32, #tpu.memory_space<vmem>>) dst(%dma_wait3A_71 : memref<16xf32, #tpu.memory_space<hbm>>)
        tpu.yield
      }) : () -> ()
    }
    %scan3A_10 = arith.constant 16 : i32
    return
  }
}

module attributes {stable_mosaic.version = 14 : i64} {
  func.func @_s_body(%arg0: i32, %arg1: memref<8x32xf32, #tpu.memory_space<vmem>>, %arg2: memref<32x32768xf32, #tpu.memory_space<vmem>>, %arg3: memref<32768xf32, #tpu.memory_space<vmem>>) attributes {dimension_semantics = [#tpu.dimension_semantics<arbitrary>], iteration_bounds = array<i64: 31>, scalar_prefetch = 0 : i64, scratch_operands = 0 : i64, tpu.core_type = #tpu.core_type<tc>, window_params = [{pipeline_mode = #tpu.pipeline_mode<synchronous>, transform_indices = @transform_0, window_bounds = array<i64: 8, 32>}, {transform_indices = @transform_1, window_bounds = array<i64: 32, 32768>}, {transform_indices = @transform_2, window_bounds = array<i64: 32768>}]} {
    %get3A = arith.constant 0 : index
    %get3A_0 = arith.constant 0 : index
    %get3A_1 = vector.load %arg1[%get3A, %get3A_0] : memref<8x32xf32, #tpu.memory_space<vmem>>, vector<8x32xf32>
    %get3A_2 = arith.constant 0 : index
    %get3A_3 = arith.constant 0 : index
    %get3A_4 = vector.load %arg2[%get3A_2, %get3A_3] : memref<32x32768xf32, #tpu.memory_space<vmem>>, vector<32x32768xf32>
    %dot_general3A = arith.constant dense<0.000000e+00> : vector<8x32768xf32>
    %dot_general3A_5 = tpu.matmul %get3A_1, %get3A_4, %dot_general3A {dimension_numbers = #tpu.dot_dimension_numbers<[1], [0], [0], [1], [0, 0, 1, 1], [], []>, transpose_lhs_hint = false} : vector<8x32xf32>, vector<32x32768xf32>, vector<8x32768xf32> -> vector<8x32768xf32>
    %slice3A = vector.extract_strided_slice %dot_general3A_5 {offsets = [0, 0], sizes = [1, 32768], strides = [1, 1]} : vector<8x32768xf32> to vector<1x32768xf32>
    %squeeze3A = vector.shape_cast %slice3A : vector<1x32768xf32> to vector<32768xf32>
    %swap3A = arith.constant 0 : index
    %swap3A_6 = vector.load %arg3[%swap3A] : memref<32768xf32, #tpu.memory_space<vmem>>, vector<32768xf32>
    tpu.vector_store %arg3[%swap3A], %squeeze3A {strides = array<i32>} : memref<32768xf32, #tpu.memory_space<vmem>>, vector<32768xf32>,
    return
  }
  func.func @transform_0(%arg0: i32) -> (i32, i32) {
    %c0_i32 = arith.constant 0 : i32
    %c0_i32_0 = arith.constant 0 : i32
    %c0_i32_1 = arith.constant 0 : i32
    return %c0_i32, %c0_i32_0 : i32, i32
  }
  func.func @transform_1(%arg0: i32) -> (i32, i32) {
    %c0_i32 = arith.constant 0 : i32
    %c0_i32_0 = arith.constant 0 : i32
    return %c0_i32, %arg0 : i32, i32
  }
  func.func @transform_2(%arg0: i32) -> i32 {
    %c0_i32 = arith.constant 0 : i32
    return %arg0 : i32
  }
}

module attributes {stable_mosaic.version = 14 : i64} {
  func.func @_t_body(%arg0: i32, %arg1: memref<200x1024xi32, #tpu.memory_space<vmem>>, %arg2: memref<64x3200xi32, #tpu.memory_space<vmem>>) attributes {dimension_semantics = [#tpu.dimension_semantics<arbitrary>], iteration_bounds = array<i64: 16>, scalar_prefetch = 0 : i64, scratch_operands = 0 : i64, tpu.core_type = #tpu.core_type<tc>, window_params = [{transform_indices = @transform_0, window_bounds = array<i64: 200, 1024>}, {transform_indices = @transform_1, window_bounds = array<i64: 64, 3200>}]} {
    %get3A = arith.constant 0 : index
    %get3A_0 = arith.constant 0 : index
    %get3A_1 = vector.load %arg1[%get3A, %get3A_0] : memref<200x1024xi32, #tpu.memory_space<vmem>>, vector<200x1024xi32>
    %reshape3A = vector.shape_cast %get3A_1 : vector<200x1024xi32> to vector<200x64x16xi32>
    %transpose3A = tpu.transpose %reshape3A, [1, 0, 2] : vector<200x64x16xi32> -> vector<64x200x16xi32>
    %reshape3A_2 = vector.shape_cast %transpose3A : vector<64x200x16xi32> to vector<64x3200xi32>
    %swap3A = arith.constant 0 : index
    %swap3A_3 = arith.constant 0 : index
    %swap3A_4 = vector.load %arg2[%swap3A, %swap3A_3] : memref<64x3200xi32, #tpu.memory_space<vmem>>, vector<64x3200xi32>
    tpu.vector_store %arg2[%swap3A, %swap3A_3], %reshape3A_2 {strides = array<i32>} : memref<64x3200xi32, #tpu.memory_space<vmem>>, vector<64x3200xi32>,
    return
  }
  func.func @transform_0(%arg0: i32) -> (i32, i32) {
    %c0_i32 = arith.constant 0 : i32
    %c0_i32_0 = arith.constant 0 : i32
    return %c0_i32, %arg0 : i32, i32
  }
  func.func @transform_1(%arg0: i32) -> (i32, i32) {
    %c0_i32 = arith.constant 0 : i32
    %c0_i32_0 = arith.constant 0 : i32
    return %arg0, %c0_i32 : i32, i32
  }
}

</mosaic_0001>

<sc_bundles>
// kernel: kernel.5.cloned.1.call-start
scs
__scs_entry_jumppad:
0x0: {  	(pc) =	sbr.rel $0x88, $3  }
0x1: {  	(tag) =	ssettag $0x0;
	lr =	simm.s32 $0x1  }
0x2: {  	[smem:$0x3F9D] =	sst lr;
	_ =	strace $0xD0000000  }
0x3: {  	_ = 	snop  }
0x4: {  	_ = 	snop  }
0x5: {  	_ = 	snop  }
0x6: {  	_ = 	snop  }
0x7: {  	_ = 	snop  }
__scs_overlays_trampoline_lowered:
0x8: {  	[smem:$0x3FAC] =	sst s0  }
0x9: {  	[smem:$0x3FAD] =	sst s1  }
0xa: {  	[smem:$0x3FAE] =	sst s2  }
0xb: {  	[smem:$0x3FAF] =	sst s3  }
0xc: {  	[smem:$0x3FB0] =	sst s4  }
0xd: {  	[smem:$0x3FB1] =	sst s5  }
0xe: {  	[smem:$0x3FB2] =	sst s6  }
0xf: {  	[smem:$0x3FB3] =	sst s7  }
0x10: {  	[smem:$0x3FB4] =	sst s8  }
0x11: {  	[smem:$0x3FB5] =	sst s9;
	s0 =	simm.s32 @!p0 $0x0  }
0x12: {  	s1 =	sld [smem:$0x3F9B];
	s0 =	simm.s32 @p0 $0x1  }
0x13: {  	[smem:$0x3FB6] =	sst s0;
	s0 =	simm.s32 @!p1 $0x0  }
0x14: {  	s2 =	sld [smem:$0x3F9A];
	s0 =	simm.s32 @p1 $0x1  }
0x15: {  	[smem:$0x3FB7] =	sst s0;
	s0 =	simm.s32 @!p2 $0x0  }
0x16: {  	s3 =	sld [smem:$0x3FDB];
	s0 =	simm.s32 @p2 $0x1  }
0x17: {  	s4 =	simm.s32 $0x1BF5;
	[smem:$0x3FB9] =	sst s0  }
0x18: {  	s0 =	sld [smem:$0x3F9C];
	_ =	swait.ge [sflag:s4], $0x0  }
0x19: {  	s7 =	sld [smem:$0x3F9D]  }
0x1a: {  	s8 =	sadd.s32 $0xFFFFE003, lr  }
0x1b: {  	s9 =	sadd.s32 $0xFFFFFEF7, lr;
	s5 =	simm.s32 $0xFFFFFFFF;
	p2 =	slt.u32 s8, $0xFFFFF086  }
0x1c: {  	p1 =	slt.u32 s9, $0xF7A;
	s5 =	simm.s32 @!p2 $0x0  }
0x1d: {  	s5 =	simm.s32 @p1 $0x1;
	p0 =	seq.s32 s7, s2  }
0x1e: {  	s7 =	smul.u32 @!p0 $0xF7A, s2;
	p2 =	seq.s32 @!p0 s5, $0x0  }
0x1f: {  	s9 =	smul.u32 $0xF7A, s1;
	s8 =	simm.s32 @!p0 $0x1BF5;
	p2 =	por !p2, p0  }
0x20: {  	[sflag:s8] =	ssyncset.s32 @!p0 $0xFFFFF086;
	s6 =	sadd.s32 @!p0 s3, s7;
	s7 =	simm.s32 @!p0 $0x108  }
0x21: {  	s3 =	sadd.s32 s3, s9;
	s6 =	sadd.s32 @!p0 $0x88, s6;
	s7 =	simm.s32 @p2 $0x1082  }
0x22: {  	[simem:s7], [sflag:s8] =	dma.local @!p0 [hbm:s6], $0xF7A  }
0x23: {  	s9 =	sor.u32 $0xD0000000, s2;
	s6 =	simm.s32 $0x108;
	_ =	swait.ge @!p0 [sflag:s8], $0x0  }
0x24: {  	s3 =	sadd.s32 $0x88, s3;
	s6 =	simm.s32 @!p1 $0x1082;
	[sflag:s4] =	ssyncset.s32 $0xFFFFF086  }
0x25: {  	[simem:s6], [sflag:s4] =	dma.local [hbm:s3], $0xF7A  }
0x26: {  	[smem:$0x3F9D] =	sst s1;
	(tag) =	ssettag s2;
	_ =	strace s9  }
0x27: {  	s1 =	sld [smem:$0x3FAD]  }
0x28: {  	s2 =	sld [smem:$0x3FAE]  }
0x29: {  	s4 =	sld [smem:$0x3FB0]  }
0x2a: {  	p0 =	seq.s32 s5, $0x0;
	s5 =	sld [smem:$0x3FB1]  }
0x2b: {  	s6 =	sld [smem:$0x3FB2]  }
0x2c: {  	s7 =	sld [smem:$0x3FB3]  }
0x2d: {  	s3 =	simm.s32 $0x108;
	s8 =	sld [smem:$0x3FB4]  }
0x2e: {  	s3 =	simm.s32 @!p0 $0x1082;
	s9 =	sld [smem:$0x3FB5]  }
0x2f: {  	lr =	sadd.s32 s0, s3;
	s0 =	sld [smem:$0x3FAC]  }
0x30: {  	s3 =	sld [smem:$0x3FAF]  }
0x31: {  	[smem:$0x3FB8] =	sst s10  }
0x32: {  	s10 =	sld [smem:$0x3FB6];
	_ =	sdelay $0x3  }
0x33: {  	p0 =	seq.s32 s10, $0x1;
	s10 =	sld [smem:$0x3FB8];
	_ =	sdelay $0x3  }
0x34: {  	[smem:$0x3FB8] =	sst s10  }
0x35: {  	s10 =	sld [smem:$0x3FB7];
	_ =	sdelay $0x3  }
0x36: {  	p1 =	seq.s32 s10, $0x1;
	s10 =	sld [smem:$0x3FB8];
	_ =	sdelay $0x3  }
0x37: {  	[smem:$0x3FB8] =	sst s10  }
0x38: {  	s10 =	sld [smem:$0x3FB9]  }
0x39: {  	_ = 	snop;
	(pc) =	sbr.ind lr, $3  }
0x3a: {  	_ = 	snop  }
0x3b: {  	_ = 	snop  }
0x3c: {  	p2 =	seq.s32 s10, $0x1;
	s10 =	sld [smem:$0x3FB8]  }
0x3d: {  	_ =	shalt  }
0x3e: {  	_ =	shalt  }
0x3f: {  	_ =	shalt  }
0x40: {  	_ =	shalt  }
0x41: {  	_ =	shalt  }
0x42: {  	_ =	shalt  }
0x43: {  	_ =	shalt  }
0x44: {  	_ =	shalt  }
0x45: {  	_ =	shalt  }
0x46: {  	_ =	shalt  }
0x47: {  	_ =	shalt  }
0x48: {  	_ =	shalt  }
0x49: {  	_ =	shalt  }
0x4a: {  	_ =	shalt  }
0x4b: {  	_ =	shalt  }
0x4c: {  	_ =	shalt  }
0x4d: {  	_ =	shalt  }
0x4e: {  	_ =	shalt  }
0x4f: {  	_ =	shalt  }
0x50: {  	_ =	shalt  }
0x51: {  	_ =	shalt  }
0x52: {  	_ =	shalt  }
0x53: {  	_ =	shalt  }
0x54: {  	_ =	shalt  }
0x55: {  	_ =	shalt  }
0x56: {  	_ =	shalt  }
0x57: {  	_ =	shalt  }
0x58: {  	_ =	shalt  }
0x59: {  	_ =	shalt  }
0x5a: {  	_ =	shalt  }
0x5b: {  	_ =	shalt  }
0x5c: {  	_ =	shalt  }
0x5d: {  	_ =	shalt  }
0x5e: {  	_ =	shalt  }
0x5f: {  	_ =	shalt  }
0x60: {  	_ =	shalt  }
0x61: {  	_ =	shalt  }
0x62: {  	_ =	shalt  }
0x63: {  	_ =	shalt  }
0x64: {  	_ =	shalt  }
0x65: {  	_ =	shalt  }
0x66: {  	_ =	shalt  }
0x67: {  	_ =	shalt  }
0x68: {  	_ =	shalt  }
0x69: {  	_ =	shalt  }
0x6a: {  	_ =	shalt  }
0x6b: {  	_ =	shalt  }
0x6c: {  	_ =	shalt  }
0x6d: {  	_ =	shalt  }
0x6e: {  	_ =	shalt  }
0x6f: {  	_ =	shalt  }
0x70: {  	_ =	shalt  }
0x71: {  	_ =	shalt  }
0x72: {  	_ =	shalt  }
0x73: {  	_ =	shalt  }
0x74: {  	_ =	shalt  }
0x75: {  	_ =	shalt  }
0x76: {  	_ =	shalt  }
0x77: {  	_ =	shalt  }
0x78: {  	_ =	shalt  }
0x79: {  	_ =	shalt  }
0x7a: {  	_ =	shalt  }
0x7b: {  	_ =	shalt  }
0x7c: {  	_ =	shalt  }
0x7d: {  	_ =	shalt  }
0x7e: {  	_ =	shalt  }
0x7f: {  	_ =	shalt  }
0x80: {  	_ =	shalt  }
0x81: {  	_ =	shalt  }
0x82: {  	_ =	shalt  }
0x83: {  	_ =	shalt  }
0x84: {  	_ =	shalt  }
0x85: {  	_ =	shalt  }
0x86: {  	_ =	shalt  }
0x87: {  	_ =	shalt  }
.Lfunc_end0:
.L_simem_size_0:
called_computation_lowered:
.L_overlay_start_0:
0x88: {  	s2 =	sld [smem:$0x3FD9]  }
0x89: {  	s3 =	sld [smem:$0x3FFE];
	_ =	sdelay $0x1  }
0x8a: {  	s1 =	srdreg.scid  }
0x8b: {  	s0 =	sand.u32 $0x1, s1  }
0x8c: {  	s17 =	sshll.u32 s0, $0xA;
	s2 =	sadd.s32 s3, s2  }
0x8d: {  	s2 =	sadd.s32 s2, s17  }
0x8e: {  	[smem:$0x3FC4] =	sst s2  }
0x8f: {  	_ = 	snop  }
0x90: {  	s2 =	sld [smem:$0x3FD0];
	(tm) =	ssettm $0x1  }
0x91: {  	s18 =	sld [smem:$0x3FFB];
	_ =	sdelay $0x3  }
0x92: {  	_ =	strace s18  }
0x93: {  	s3 =	sld [smem:$0x3FFC];
	_ =	sdelay $0x3  }
0x94: {  	_ =	strace s3  }
0x95: {  	s3 =	sld [smem:$0x3FFD];
	_ =	sdelay $0x3  }
0x96: {  	_ =	strace s3  }
0x97: {  	_ =	strace $0x8FFFFFFF  }
0x98: {  	s19 =	sld [smem:$0x3FDB];
	_ =	sdelay $0x1  }
0x99: {  	s4 =	simm.s32 $_scs_section_size  }
0x9a: {  	s5 =	simm.s32 $_size__tile_overlayer_lowered;
	s6 =	simm.s32 $_tile_overlayer_lowered  }
0x9b: {  	s22 =	simm.s32 $0x1BFF;
	s21 =	sshll.u32 s6, $0x1;
	s3 =	sadd.s32 s4, s19  }
0x9c: {  	s7 =	simm.s32 $0x0;
	s20 =	sshll.u32 s5, $0x1;
	s5 =	sadd.s32 s21, s3  }
0x9d: {  	[timem:s7], [sflag:s22] =	dma.local [hbm:s5], s20  }
0x9e: {  	_ =	swait.ge [sflag:s22], s20  }
0x9f: {  	s4 =	ssub.s32 $0x0, s20;
	[sflag:s22] =	ssyncset.done $0x0  }
0xa0: {  	[sflag:s22] =	ssyncadd.s32 s4;
	_ =	sdelay $0x1  }
0xa1: {  	s23 =	simm.s32 $0x1B8B  }
0xa2: {  	_ =	swait.ge [sflag:s23], $0x1  }
0xa3: {  	[sflag:s23] =	ssyncset.done $0x0  }
0xa4: {  	s25 =	simm.s32 $0x1B8E;
	s24 =	sld [smem:$0x3FFE];
	[sflag:s23] =	ssyncadd.s32 $0xFFFFFFFF  }
0xa5: {  	s26 =	simm.s32 $execute0_lowered;
	[smem:$0x3FD2] =	sst s25  }
0xa6: {  	s5 =	sshll.u32 s26, $0x1;
	_ =	strace $0x80000046;
	[dreg:$0x1] =	wrdreg $0xFFFFFFFF  }
0xa7: {  	s28 =	simm.s32 $_size_execute0_lowered;
	s3 =	sadd.s32 s3, s5;
	[dreg:$0x0] =	wrdreg $0x0  }
0xa8: {  	s5 =	sshll.u32 s28, $0x1;
	[dreg:$0x2] =	wrdreg s3  }
0xa9: {  	[dreg:$0x3] =	wrdreg s5  }
0xaa: {  	[dreg:$0x4] =	wrdreg $0xC0  }
0xab: {  	_ =	task [dreg:s7], $0x5FFFF  }
0xac: {  	[dreg:$0x1] =	wrdreg $0xFFFFFFFF  }
0xad: {  	[dreg:$0x0] =	wrdreg $0x60  }
0xae: {  	[dreg:$0x2] =	wrdreg s24  }
0xaf: {  	[dreg:$0x3] =	wrdreg s2  }
0xb0: {  	[dreg:$0x4] =	wrdreg $0x9  }
0xb1: {  	_ =	task.clear_ibuf [dreg:s7], $0x5FFFF;
	_ =	strace $0x90000046  }
0xb2: {  	s29 =	simm.s32 $0x9;
	_ =	strace $0x80000048  }
0xb3: {  	_ =	swait.ge [sflag:s29], $0x1  }
0xb4: {  	[sflag:s29] =	ssyncadd.s32 $0xFFFFFFFF  }
0xb5: {  	_ =	strace $0x90000048  }
0xb6: {  	_ =	sfence  }
0xb7: {  	s30 =	sld [smem:$0x0];
	_ =	sdelay $0x2  }
0xb8: {  	s31 =	sshll.u32 s1, $0xD;
	s1 =	sshrl.u32 s1, $0x2  }
0xb9: {  	s3 =	sand.u32 $0x4000, s31;
	s1 =	sadd.s32 s1, s30  }
0xba: {  	s0 =	sor.u32 s3, s0;
	s1 =	sshll.u32 s1, $0x11  }
0xbb: {  	s0 =	sor.u32 s1, s0  }
0xbc: {  	s0 =	sadd.s32 $0x8F2B, s0  }
0xbd: {  	[sflag:s0] =	ssyncadd.remote.s32 $0x1  }
0xbe: {  	_ =	sfence.sel $0xFFFF  }
0xbf: {  	[dreg:$0x0] =	wrdreg $0xFFFFFFFF;
	(pc) =	sbr.abs _section_cstart, $3  }
0xc0: {  	[dreg:$0x1] =	wrdreg $0xFFFFFFFF  }
0xc1: {  	_ =	task.clear_ibuf [dreg:s7], $0x2FFFF;
	_ =	strace $0x9FFFFFFF  }
0xc2: {  	(tm) =	ssettm $0x7FFFFFFF  }
0xc3: {  	_ =	shalt  }
tec
execute0_lowered:
.L_overlay_start_1:
0x0: {  	(tag) =	ssettag $0x1  }
0x1: {  	s7 =	rddreg [dreg:$0x0]  }
0x2: {  	s2 =	rddreg [dreg:$0x1];
	s3 =	srdreg.scid  }
0x3: {  	s0 =	rddreg [dreg:$0x2];
	s1 =	stileid.u32  }
0x4: {  	s11 =	simm.s32 $0x3;
	s12 =	simm.s32 $0x80;
	s13 =	simm.s32 $0x400  }
0x5: {  	s14 =	simm.s32 $0xC80;
	s15 =	simm.s32 $0x1900;
	s16 =	simm.s32 $0x2580  }
0x6: {  	s17 =	simm.s32 $0x1;
	s18 =	simm.s32 $0x2;
	s5 =	sand.u32 $0x1, s3  }
0x7: {  	s3 =	simm.s32 $0x0;
	s4 =	sshll.u32 s1, $0x6;
	s6 =	sshll.u32 s5, $0x5  }
0x8: {  	s19 =	simm.s32 $0x0;
	[smem:$0x7FF] =	sst s3;
	s4 =	sor.u32 s6, s4  }
0x9: {  	s8 =	ssub.s32 $0x2, s5;
	s5 =	sadd.s32 $0x800, s7;
	s6 =	sshrl.u32 s4, $0x3  }
0xa: {  	_ =	strace $0x80000047;
	s9 =	sshrl.u32 s8, $0x1;
	s10 =	smul.u32 $0xC80, s6  }
0xb: {  	s9 =	ssub.s32 s8, s9;
	s6 =	sadd.s32 $0x64800, s7;
	s7 =	sadd.s32 $0x83200, s7  }
0xc: {  	s9 =	smax.u32 s9, $0x1;
	s8 =	sadd.s32 s5, s10;
	s10 =	simm.s32 $0x3200  }
.LBB2_1:
0xd: {  	[tilespmem:s10], [sflag:$0x3] =	stream.linear.gather [hbm4b:s7+s3], $0x80, $0x38;
	[tilespmem:$0x3280] =	vst v63  }
0xe: {  	_ =	swait.ge [sflag:s11], $0x80  }
0xf: {  	[sflag:s11] =	ssyncset.done $0x0  }
0x10: {  	[sflag:s11] =	ssyncadd.s32 $0xFFFFFF80  }
0x11: {  	v0 =	vld [tilespmem:$0x3200];
	[tilespmem:s3], [sflag:$0x3] =	stream.strided.gather [hbm4b:s8+s12], $0xC80, s13, s12, $0x38  }
0x12: {  	_ =	swait.ge [sflag:s11], $0xC80  }
0x13: {  	[sflag:s11] =	ssyncset.done $0x0  }
0x14: {  	s21 =	simm.s32 $0x0;
	[sflag:s11] =	ssyncadd.s32 $0xFFFFF380  }
0x15: {  	[tilespmem:s15], [sflag:$0x1] =	stream.indirect.gather [hbm4b:s6+s14], $0x1, s3, s14, $0xb8;
	[tilespmem:$0x3280] =	vst v63  }
.LBB2_2:
0x16: {  	s20 =	sshll.u32 s21, $0x1  }
0x17: {  	s22 =	sadd.s32 s4, s20  }
0x18: {  	s20 =	sor.u32 $0x1, s22;
	s23 =	sshrl.u32 s22, $0x3  }
0x19: {  	s23 =	smul.u32 $0x6400, s23;
	s24 =	sshll.u32 s20, $0x7  }
0x1a: {  	s24 =	sand.u32 $0x380, s24  }
0x1b: {  	s23 =	sor.u32 s23, s24  }
0x1c: {  	s23 =	sshrl.u32 s23, $0x3  }
0x1d: {  	s23 =	sadd.s32 s5, s23  }
0x1e: {  	[tilespmem:s14], [sflag:$0x3] =	stream.strided.gather [hbm4b:s23+s12], $0xC80, s13, s12, $0x38;
	[tilespmem:$0x3280] =	vst v63  }
0x1f: {  	_ =	swait.ge [sflag:s11], $0xC80  }
0x20: {  	[sflag:s11] =	ssyncset.done $0x0  }
0x21: {  	[sflag:s11] =	ssyncadd.s32 $0xFFFFF380  }
0x22: {  	[tilespmem:s16], [sflag:$0x2] =	stream.indirect.gather [hbm4b:s6+s14], $0x1, s14, s14, $0xb8;
	[tilespmem:$0x3280] =	vst v63  }
0x23: {  	_ =	swait.ge [sflag:s17], $0xC80  }
0x24: {  	[sflag:s17] =	ssyncset.done $0x0  }
0x25: {  	s31 =	simm.s32 $0x0;
	[sflag:s17] =	ssyncadd.s32 $0xFFFFF380  }
0x26: {  	v1 =	vmov v0;
	s23 =	simm.s32 $0x40;
	v2 =	vld [tilespmem:s31+$0x1900]  }
.LBB2_3:
0x27: {  	p0 =	sne.s32 s23, $0x31C0  }
.Ltmp0:
0x28: {  	_ = 	snop;
	(pc) =	sbr.rel @p0 .LBB2_3-.Ltmp0, $3  }
0x29: {  	_ =	sdelay $0x1  }
0x2a: {  	s24 =	sshra.s32 s23, $0x2;
	s23 =	sadd.s32 $0x40, s23;
	v1 =	vadd.f32 v2, v1  }
0x2b: {  	v2 =	vld [tilespmem:s24+$0x1900]  }
0x2c: {  	_ =	sdelay $0x3  }
0x2d: {  	v1 =	vadd.f32 v2, v1;
	_ =	sdelay $0x1  }
0x2e: {  	v1 =	vsub.f32 $0.0e+00, v1;
	_ =	sdelay $0x1  }
0x2f: {  	v1 =	vmul.f32 $1.442695020e+00, v1;
	_ =	sdelay $0x1  }
0x30: {  	(erf) = vpow2.f32 v1;
	_ =	sdelay $0x8  }
0x31: {  	v1 =	vpop (erf)  }
0x32: {  	v1 =	vadd.f32 $1.000000000e+00, v1;
	_ =	sdelay $0x1  }
0x33: {  	(erf) = vrcp.f32 v1;
	_ =	sdelay $0x8  }
0x34: {  	s23 =	sshll.u32 s22, $0x1;
	p0 =	seq.s32 s21, $0xF;
	v1 =	vpop (erf)  }
0x35: {  	s23 =	sadd.s32 s2, s23;
	s22 =	sadd.s32 @!p0 $0x2, s22;
	[tilespmem:$0x3200] =	vst v1  }
0x36: {  	[hbm4b:s23+s3] =	stream.linear.scatter [tilespmem:s10], [sflag:$0x3], $0x10, $0x38;
	[tilespmem:$0x3280] =	vst v63  }
0x37: {  	s23 =	sshrl.u32 @!p0 s22, $0x3  }
0x38: {  	s22 =	sshll.u32 @!p0 s22, $0x7;
	s23 =	smul.u32 @!p0 $0x6400, s23  }
0x39: {  	s22 =	sand.u32 @!p0 $0x300, s22  }
0x3a: {  	s24 =	simm.s32 @!p0 $0x400;
	_ =	swait.ge [sflag:s11], $0x10;
	s22 =	sor.u32 @!p0 s22, s23  }
0x3b: {  	s25 =	simm.s32 @!p0 $0x0;
	[sflag:s11] =	ssyncset.done $0x0;
	s22 =	sshrl.u32 @!p0 s22, $0x3  }
0x3c: {  	[sflag:s11] =	ssyncadd.s32 $0xFFFFFFF0;
	s23 =	simm.s32 @!p0 $0x80;
	s22 =	sadd.s32 @!p0 s5, s22  }
0x3d: {  	[tilespmem:s25], [sflag:$0x3] =	stream.strided.gather @!p0 [hbm4b:s22+s23], $0xC80, s24, s23, $0x38;
	[tilespmem:$0x3280] =	vst v63  }
0x3e: {  	s22 =	simm.s32 @!p0 $0x3  }
0x3f: {  	_ =	swait.ge @!p0 [sflag:s22], $0xC80  }
0x40: {  	[sflag:s22] =	ssyncset.done @!p0 $0x0  }
0x41: {  	s23 =	simm.s32 @!p0 $0x1900;
	[sflag:s22] =	ssyncadd.s32 @!p0 $0xFFFFF380;
	s22 =	simm.s32 @!p0 $0xC80  }
0x42: {  	[tilespmem:s23], [sflag:$0x1] =	stream.indirect.gather @!p0 [hbm4b:s6+s22], $0x1, s25, s22, $0xb8;
	[tilespmem:$0x3280] =	vst v63  }
0x43: {  	_ =	swait.ge [sflag:s18], $0xC80  }
0x44: {  	[sflag:s18] =	ssyncset.done $0x0  }
0x45: {  	s31 =	simm.s32 $0x0;
	[sflag:s18] =	ssyncadd.s32 $0xFFFFF380  }
0x46: {  	s21 =	sadd.s32 $0x1, s21;
	v1 =	vmov v0;
	s22 =	simm.s32 $0x40;
	v2 =	vld [tilespmem:s31+$0x2580]  }
.LBB2_5:
0x47: {  	p0 =	sne.s32 s22, $0x31C0  }
.Ltmp1:
0x48: {  	_ = 	snop;
	(pc) =	sbr.rel @p0 .LBB2_5-.Ltmp1, $3  }
0x49: {  	_ =	sdelay $0x1  }
0x4a: {  	s23 =	sshra.s32 s22, $0x2;
	s22 =	sadd.s32 $0x40, s22;
	v1 =	vadd.f32 v2, v1  }
0x4b: {  	v2 =	vld [tilespmem:s23+$0x2580]  }
0x4c: {  	_ =	sdelay $0x3  }
0x4d: {  	v1 =	vadd.f32 v2, v1;
	_ =	sdelay $0x1  }
0x4e: {  	v1 =	vsub.f32 $0.0e+00, v1;
	_ =	sdelay $0x1  }
0x4f: {  	v1 =	vmul.f32 $1.442695020e+00, v1;
	_ =	sdelay $0x1  }
0x50: {  	(erf) = vpow2.f32 v1;
	_ =	sdelay $0x8  }
0x51: {  	v1 =	vpop (erf)  }
0x52: {  	v1 =	vadd.f32 $1.000000000e+00, v1;
	_ =	sdelay $0x1  }
0x53: {  	(erf) = vrcp.f32 v1;
	_ =	sdelay $0x7  }
0x54: {  	s20 =	sshll.u32 s20, $0x1  }
0x55: {  	p0 =	sne.s32 s21, $0x10;
	s20 =	sand.u32 $0x1FFFFFFE, s20;
	v1 =	vpop (erf)  }
.Ltmp2:
0x56: {  	s20 =	sadd.s32 s2, s20;
	[tilespmem:$0x3200] =	vst v1;
	(pc) =	sbr.rel @p0 .LBB2_2-.Ltmp2, $4  }
0x57: {  	[hbm4b:s20+s3] =	stream.linear.scatter [tilespmem:s10], [sflag:$0x3], $0x10, $0x38;
	[tilespmem:$0x3280] =	vst v63  }
0x58: {  	_ =	swait.ge [sflag:s11], $0x10  }
0x59: {  	[sflag:s11] =	ssyncset.done $0x0  }
0x5a: {  	[sflag:s11] =	ssyncadd.s32 $0xFFFFFFF0  }
0x5b: {  	s19 =	sadd.s32 $0x1, s19  }
0x5c: {  	p0 =	sne.s32 s19, s9  }
.Ltmp3:
0x5d: {  	_ = 	snop;
	(pc) =	sbr.rel @p0 .LBB2_1-.Ltmp3, $1  }
0x5e: {  	_ =	sdelay $0x3  }
0x5f: {  	_ =	sfence.sel $0x180000  }
0x60: {  	[bflag:$0x0] =	sbarrier.arrive $0xFFFF  }
0x61: {  	p0 =	sne.s32 s1, $0x0;
	_ =	strace $0x90000047  }
0x62: {  	s0 =	sadd.s32 @!p0 $0x100000, s0;
	[bflag:$0x2] =	sbarrier.arrive $0xFFFF  }
0x63: {  	[sflag:s0] =	ssyncadd.tile.s32 @!p0 $0x1;
	_ =	shalt  }
.Lfunc_end2:
_tile_overlayer_lowered:
.L_overlay_start_2:
0x64: {  	(tag) =	ssettag $0x2  }
0x65: {  	s0 =	rddreg [dreg:$0x0];
	s2 =	stileid.u32  }
0x66: {  	s1 =	rddreg [dreg:$0x1];
	p0 =	sne.s32 s2, $0x0  }
0x67: {  	s3 =	rddreg [dreg:$0x2];
	[bflag:$0x3] =	sbarrier.arrive $0xFFFF;
	s2 =	simm.s32 @!p0 $0x1C03  }
0x68: {  	[timem:s3], [sflag:s2] =	dma.local @!p0 [hbm:s0], s1  }
0x69: {  	s0 =	simm.s32 @!p0 $0x3  }
0x6a: {  	_ =	swait.ge @!p0 [sflag:s0], s1  }
0x6b: {  	s1 =	ssub.s32 @!p0 $0x0, s1;
	[sflag:s0] =	ssyncset.done @!p0 $0x0  }
0x6c: {  	[sflag:s0] =	ssyncadd.s32 @!p0 s1  }
0x6d: {  	[bflag:$0x3] =	sbarrier.arrive $0xFFFF  }
0x6e: {  	_ =	shalt  }

</sc_bundles>
